<compile_context>
chip_gen: v7x
topology: tpu7x:2x2x1
jax: 0.10.2.dev20260603
libtpu: 0.0.44.dev20260713+nightly
codegen_flags: <defaults>
</compile_context>

<pallas_src>
import functools

import jax
import jax.numpy as jnp
from jax import lax
from jax.experimental import pallas as pl
from jax.experimental.pallas import tpu as pltpu
from jax.experimental.pallas import tpu_sc as plsc

L = 128
Q = 21
QQ = Q * Q
LL = L * L
LAMBDA_H = 0.01
LAMBDA_J = 0.01

J_CBLOCK = 1024
J_NSTREAM = 4
J_STEPS = LL // (J_NSTREAM * J_CBLOCK)


def _sc_gather(jcol_flat, sigma_ri):
    mesh = plsc.VectorSubcoreMesh(
        core_axis_name="c", subcore_axis_name="s", num_cores=1)

    @functools.partial(
        pl.kernel,
        mesh=mesh,
        out_type=jax.ShapeDtypeStruct((Q, L), jnp.float32),
        scratch_types=[
            pltpu.VMEM((L,), jnp.int32),
            pltpu.VMEM((L,), jnp.int32),
            pltpu.VMEM((L,), jnp.float32),
            pltpu.SemaphoreType.DMA,
        ],
    )
    def k(jf_hbm, sig_hbm, out_hbm, sig_v, idx_v, vals_v, sem):
        sid = lax.axis_index("s")
        for rep in range(2):
            row = sid + rep * 16

            @pl.when(row < Q)
            def _():
                pltpu.sync_copy(sig_hbm.at[row], sig_v)

                for c in range(L // 16):
                    sl = pl.ds(c * 16, 16)
                    idx_v[sl] = (sig_v[sl] * L
                                 + (lax.iota(jnp.int32, 16) + c * 16))
                pltpu.async_copy(jf_hbm.at[idx_v], vals_v, sem).wait()
                pltpu.sync_copy(vals_v, out_hbm.at[row])

    return k(jcol_flat, sigma_ri)


def _ssq_body(*refs):
    (js, (out_ref, acc_ref)) = refs[:J_NSTREAM], refs[J_NSTREAM:]
    i = pl.program_id(0)

    @pl.when(i == 0)
    def _():
        acc_ref[0] = 0.0

    tot = jnp.float32(0.0)
    for j_ref in js:
        blk = j_ref[...]
        tot += jnp.sum(blk * blk)
    acc_ref[0] += tot

    @pl.when(i == J_STEPS - 1)
    def _():
        out_ref[0] = acc_ref[0]


def _tc_ssq(j2d):
    def _spec(k):
        return pl.BlockSpec((QQ, J_CBLOCK), lambda i, _k=k: (0, i + _k * J_STEPS))

    return pl.pallas_call(
        _ssq_body,
        grid=(J_STEPS,),
        in_specs=[_spec(k) for k in range(J_NSTREAM)],
        out_specs=pl.BlockSpec(memory_space=pltpu.SMEM),
        out_shape=jax.ShapeDtypeStruct((1,), jnp.float32),
        scratch_shapes=[pltpu.SMEM((1,), jnp.float32)],
    )(*([j2d] * J_NSTREAM))


def _epilogue_body(r_ref, sr_ref, wb_ref, ssq_j_ref, h_ref, vals_ref, out_ref):
    r0 = r_ref[0]
    sr = sr_ref[0]
    col = lax.broadcasted_iota(jnp.int32, (Q, L), 1)
    colmask = (col != r0).astype(jnp.float32)
    j_l = jnp.sum(vals_ref[...] * colmask, axis=1, keepdims=True)
    onehot_r = (col == r0).astype(jnp.float32)
    h_all = h_ref[...]
    h_r = jnp.sum(h_all * onehot_r, axis=1, keepdims=True)
    s = h_r + j_l
    denom = jnp.sum(jnp.exp(s))
    row = lax.broadcasted_iota(jnp.int32, (Q, 1), 0)
    pick = jnp.sum(s * (row == sr).astype(jnp.float32))
    ssq_h = jnp.sum(h_all * h_all)
    out_ref[0] = ((-pick + jnp.log(denom)) * wb_ref[0]
                  + LAMBDA_H * ssq_h + LAMBDA_J * ssq_j_ref[0])


def _tc_epilogue(r_i, sr_i, w_b, ssq_j, H_weight, vals):
    return pl.pallas_call(
        _epilogue_body,
        in_specs=[
            pl.BlockSpec(memory_space=pltpu.SMEM),
            pl.BlockSpec(memory_space=pltpu.SMEM),
            pl.BlockSpec(memory_space=pltpu.SMEM),
            pl.BlockSpec(memory_space=pltpu.SMEM),
            pl.BlockSpec((Q, L), lambda: (0, 0)),
            pl.BlockSpec((Q, L), lambda: (0, 0)),
        ],
        out_specs=pl.BlockSpec(memory_space=pltpu.SMEM),
        out_shape=jax.ShapeDtypeStruct((1,), jnp.float32),
    )(r_i, sr_i, w_b, ssq_j, H_weight, vals)


def kernel(sigma_r, sigma_i, sigma_ri, r, w_b, H_weight, J_weight):
    del sigma_i
    r_i = r.astype(jnp.int32)
    jcol = lax.dynamic_slice(J_weight, (0, r_i[0] * L), (QQ, L)).reshape(QQ * L)
    vals = _sc_gather(jcol, sigma_ri.astype(jnp.int32))
    ssq_j = _tc_ssq(J_weight)
    return _tc_epilogue(r_i, sigma_r.astype(jnp.int32), w_b, ssq_j,
                        H_weight, vals)

# --- scband reference (transcript-rebuilt; emitter-appended) ---
"""Pipeline reference for scband-log-loss-rb-84713934946768 (READ-ONLY COPY).

The authoritative reference and input builder live on the scoring server;
editing this copy changes nothing except your own understanding.
"""

import jax, jax.numpy as jnp
import numpy as np

L = 128
q = 21
lambda_h = 0.01
lambda_j = 0.01


def setup_inputs(seed: int = 0) -> dict:
    key = jax.random.key(seed)
    ks = jax.random.split(key, 7)
    sigma_r = jax.random.randint(ks[0], (1,), 0, q)
    sigma_i = jax.random.randint(ks[1], (L,), 0, q)
    sigma_ri = jax.random.randint(ks[2], (q, L), 0, q * q)
    r = jax.random.randint(ks[3], (1,), 0, L)
    w_b = jax.random.uniform(ks[4], (1,), dtype=jnp.float32)
    H_weight = jax.random.normal(ks[5], (q, L), dtype=jnp.float32)
    J_weight = jax.random.normal(ks[6], (q * q, L * L), dtype=jnp.float32)
    return {
        "sigma_r": sigma_r,
        "sigma_i": sigma_i,
        "sigma_ri": sigma_ri,
        "r": r,
        "w_b": w_b,
        "H_weight": H_weight,
        "J_weight": J_weight,
    }


def reference(sigma_r, sigma_i, sigma_ri, r, w_b, H_weight, J_weight):
    r0 = r[0]
    # mask = eye(L) with mask[r, r] = 0
    mask = jnp.eye(L, dtype=jnp.float32)
    mask = mask.at[r0, r0].set(0.0)
    mask_extended = jnp.broadcast_to(mask, (q, L, L))
    # embedding gather: J(sigma_ri) -> (q*L, L*L) -> (q, L, L, L)
    J_rili = jnp.take(J_weight, sigma_ri.reshape(-1), axis=0).reshape(q, L, L, L)
    # J_rili[:, :, r, :] -> (q, L, L)
    J_ili = J_rili[:, :, r0, :]
    J_l = (J_ili * mask_extended).sum(axis=1).sum(axis=1)  # (q,)
    # H(all_aa) is the full H table (q, L)
    h_r = H_weight[:, r0]  # (q,)
    denominator = jnp.exp(h_r + J_l).sum()
    Lpseudo = (-(h_r + J_l)[sigma_r] + jnp.log(denominator)) * w_b[0]
    Lpseudo = Lpseudo + lambda_h * jnp.sum(H_weight * H_weight)
    Lpseudo = Lpseudo + lambda_j * jnp.sum(J_weight * J_weight)
    return Lpseudo

if __name__ == "__main__":
    import jax
    _d = setup_inputs()
    print(jax.jit(kernel)(*tuple(_d.values())))

</pallas_src>

<mosaic_0001>
#map = affine_map<(d0, d1) -> (0)>
#map1 = affine_map<(d0, d1) -> (0, 0)>
module attributes {stable_mosaic.version = 14 : i64} {
  func.func @k(%arg0: i32, %arg1: i32, %arg2: memref<56448xf32, #tpu.memory_space<hbm>>, %arg3: memref<21x128xi32, #tpu.memory_space<hbm>>, %arg4: memref<21x128xf32, #tpu.memory_space<hbm>>, %arg5: memref<128xi32, #tpu.memory_space<vmem>>, %arg6: memref<128xi32, #tpu.memory_space<vmem>>, %arg7: memref<128xf32, #tpu.memory_space<vmem>>, %arg8: memref<!tpu.dma_semaphore, #tpu.memory_space<semaphore_mem>>) attributes {dimension_semantics = [#tpu.dimension_semantics<core_parallel>, #tpu.dimension_semantics<subcore_parallel>], iteration_bounds = array<i64: 1, 16>, scalar_prefetch = 0 : i64, scratch_operands = 4 : i64, tpu.core_type = #tpu.core_type<sc_vector_subcore>, window_params = [{transform_indices = #map}, {transform_indices = #map1}, {transform_indices = #map1}]} {
    %add3A = arith.constant 0 : i32
    %add3A_0 = arith.addi %arg1, %add3A : i32
    %lt3A = arith.constant 21 : i32
    %lt3A_1 = arith.cmpi slt, %add3A_0, %lt3A : i32
    %convert_element_type3A = arith.extui %lt3A_1 : i1 to i32
    %cond3A = arith.constant 0 : i32
    %cond3A_2 = arith.cmpi ne, %convert_element_type3A, %cond3A : i32
    scf.if %cond3A_2 {
      "tpu.region"() ({
        %run_scoped3A = tpu.sem_alloc : memref<!tpu.dma_semaphore, #tpu.memory_space<semaphore_mem>>
        %dma_start3A_128 = arith.constant 0 : i32
        %dma_start3A_129 = tpu.memref_slice %arg3[%add3A_0, %dma_start3A_128] : memref<21x128xi32, #tpu.memory_space<hbm>> -> memref<1x128xi32, #tpu.memory_space<hbm>>
        %dma_start3A_130 = tpu.memref_squeeze %dma_start3A_129 : memref<1x128xi32, #tpu.memory_space<hbm>> -> memref<128xi32, #tpu.memory_space<hbm>>
        %dma_start3A_131 = arith.constant 0 : i32
        %dma_start3A_132 = tpu.memref_slice %arg3[%add3A_0, %dma_start3A_131] : memref<21x128xi32, #tpu.memory_space<hbm>> -> memref<1x128xi32, #tpu.memory_space<hbm>>
        %dma_start3A_133 = tpu.memref_squeeze %dma_start3A_132 : memref<1x128xi32, #tpu.memory_space<hbm>> -> memref<128xi32, #tpu.memory_space<hbm>>
        tpu.enqueue_dma source(%dma_start3A_133 : memref<128xi32, #tpu.memory_space<hbm>>) target(%arg5 : memref<128xi32, #tpu.memory_space<vmem>>) target_semaphore(%run_scoped3A : memref<!tpu.dma_semaphore, #tpu.memory_space<semaphore_mem>>)
        %dma_wait3A_134 = arith.constant 0 : i32
        %dma_wait3A_135 = tpu.memref_slice %arg3[%add3A_0, %dma_wait3A_134] : memref<21x128xi32, #tpu.memory_space<hbm>> -> memref<1x128xi32, #tpu.memory_space<hbm>>
        %dma_wait3A_136 = tpu.memref_squeeze %dma_wait3A_135 : memref<1x128xi32, #tpu.memory_space<hbm>> -> memref<128xi32, #tpu.memory_space<hbm>>
        %dma_wait3A_137 = arith.constant 0 : i32
        %dma_wait3A_138 = tpu.memref_slice %arg3[%add3A_0, %dma_wait3A_137] : memref<21x128xi32, #tpu.memory_space<hbm>> -> memref<1x128xi32, #tpu.memory_space<hbm>>
        %dma_wait3A_139 = tpu.memref_squeeze %dma_wait3A_138 : memref<1x128xi32, #tpu.memory_space<hbm>> -> memref<128xi32, #tpu.memory_space<hbm>>
        tpu.wait_dma2 semaphore(%run_scoped3A : memref<!tpu.dma_semaphore, #tpu.memory_space<semaphore_mem>>) src(%dma_wait3A_139 : memref<128xi32, #tpu.memory_space<hbm>>) dst(%arg5 : memref<128xi32, #tpu.memory_space<vmem>>)
        tpu.yield
      }) : () -> ()
      %get3A = arith.constant 0 : index
      %get3A_10 = tpu.vector_load %arg5[%get3A] {strides = array<i32>} : memref<128xi32, #tpu.memory_space<vmem>>, vector<16xi32>,
      %get3A_11 = vector.shape_cast %get3A_10 : vector<16xi32> to vector<16xi32>
      %mul3A = arith.constant 128 : i32
      %mul3A_12 = vector.broadcast %mul3A : i32 to vector<16xi32>
      %mul3A_13 = arith.muli %get3A_11, %mul3A_12 : vector<16xi32>
      %iota3A = tpu.iota {dimensions = array<i32: 0>} : vector<16xi32>
      %add3A_14 = arith.constant 0 : i32
      %add3A_15 = vector.broadcast %add3A_14 : i32 to vector<16xi32>
      %add3A_16 = arith.addi %iota3A, %add3A_15 : vector<16xi32>
      %add3A_17 = arith.addi %mul3A_13, %add3A_16 : vector<16xi32>
      %swap3A = arith.constant 0 : index
      %swap3A_18 = tpu.vector_load %arg6[%swap3A] {strides = array<i32>} : memref<128xi32, #tpu.memory_space<vmem>>, vector<16xi32>,
      %swap3A_19 = vector.shape_cast %swap3A_18 : vector<16xi32> to vector<16xi32>
      %swap3A_20 = vector.shape_cast %add3A_17 : vector<16xi32> to vector<16xi32>
      tpu.vector_store %arg6[%swap3A], %swap3A_20 {strides = array<i32>} : memref<128xi32, #tpu.memory_space<vmem>>, vector<16xi32>,
      %get3A_21 = arith.constant 16 : index
      %get3A_22 = tpu.vector_load %arg5[%get3A_21] {strides = array<i32>} : memref<128xi32, #tpu.memory_space<vmem>>, vector<16xi32>,
      %get3A_23 = vector.shape_cast %get3A_22 : vector<16xi32> to vector<16xi32>
      %mul3A_24 = arith.constant 128 : i32
      %mul3A_25 = vector.broadcast %mul3A_24 : i32 to vector<16xi32>
      %mul3A_26 = arith.muli %get3A_23, %mul3A_25 : vector<16xi32>
      %iota3A_27 = tpu.iota {dimensions = array<i32: 0>} : vector<16xi32>
      %add3A_28 = arith.constant 16 : i32
      %add3A_29 = vector.broadcast %add3A_28 : i32 to vector<16xi32>
      %add3A_30 = arith.addi %iota3A_27, %add3A_29 : vector<16xi32>
      %add3A_31 = arith.addi %mul3A_26, %add3A_30 : vector<16xi32>
      %swap3A_32 = arith.constant 16 : index
      %swap3A_33 = tpu.vector_load %arg6[%swap3A_32] {strides = array<i32>} : memref<128xi32, #tpu.memory_space<vmem>>, vector<16xi32>,
      %swap3A_34 = vector.shape_cast %swap3A_33 : vector<16xi32> to vector<16xi32>
      %swap3A_35 = vector.shape_cast %add3A_31 : vector<16xi32> to vector<16xi32>
      tpu.vector_store %arg6[%swap3A_32], %swap3A_35 {strides = array<i32>} : memref<128xi32, #tpu.memory_space<vmem>>, vector<16xi32>,
      %get3A_36 = arith.constant 32 : index
      %get3A_37 = tpu.vector_load %arg5[%get3A_36] {strides = array<i32>} : memref<128xi32, #tpu.memory_space<vmem>>, vector<16xi32>,
      %get3A_38 = vector.shape_cast %get3A_37 : vector<16xi32> to vector<16xi32>
      %mul3A_39 = arith.constant 128 : i32
      %mul3A_40 = vector.broadcast %mul3A_39 : i32 to vector<16xi32>
      %mul3A_41 = arith.muli %get3A_38, %mul3A_40 : vector<16xi32>
      %iota3A_42 = tpu.iota {dimensions = array<i32: 0>} : vector<16xi32>
      %add3A_43 = arith.constant 32 : i32
      %add3A_44 = vector.broadcast %add3A_43 : i32 to vector<16xi32>
      %add3A_45 = arith.addi %iota3A_42, %add3A_44 : vector<16xi32>
      %add3A_46 = arith.addi %mul3A_41, %add3A_45 : vector<16xi32>
      %swap3A_47 = arith.constant 32 : index
      %swap3A_48 = tpu.vector_load %arg6[%swap3A_47] {strides = array<i32>} : memref<128xi32, #tpu.memory_space<vmem>>, vector<16xi32>,
      %swap3A_49 = vector.shape_cast %swap3A_48 : vector<16xi32> to vector<16xi32>
      %swap3A_50 = vector.shape_cast %add3A_46 : vector<16xi32> to vector<16xi32>
      tpu.vector_store %arg6[%swap3A_47], %swap3A_50 {strides = array<i32>} : memref<128xi32, #tpu.memory_space<vmem>>, vector<16xi32>,
      %get3A_51 = arith.constant 48 : index
      %get3A_52 = tpu.vector_load %arg5[%get3A_51] {strides = array<i32>} : memref<128xi32, #tpu.memory_space<vmem>>, vector<16xi32>,
      %get3A_53 = vector.shape_cast %get3A_52 : vector<16xi32> to vector<16xi32>
      %mul3A_54 = arith.constant 128 : i32
      %mul3A_55 = vector.broadcast %mul3A_54 : i32 to vector<16xi32>
      %mul3A_56 = arith.muli %get3A_53, %mul3A_55 : vector<16xi32>
      %iota3A_57 = tpu.iota {dimensions = array<i32: 0>} : vector<16xi32>
      %add3A_58 = arith.constant 48 : i32
      %add3A_59 = vector.broadcast %add3A_58 : i32 to vector<16xi32>
      %add3A_60 = arith.addi %iota3A_57, %add3A_59 : vector<16xi32>
      %add3A_61 = arith.addi %mul3A_56, %add3A_60 : vector<16xi32>
      %swap3A_62 = arith.constant 48 : index
      %swap3A_63 = tpu.vector_load %arg6[%swap3A_62] {strides = array<i32>} : memref<128xi32, #tpu.memory_space<vmem>>, vector<16xi32>,
      %swap3A_64 = vector.shape_cast %swap3A_63 : vector<16xi32> to vector<16xi32>
      %swap3A_65 = vector.shape_cast %add3A_61 : vector<16xi32> to vector<16xi32>
      tpu.vector_store %arg6[%swap3A_62], %swap3A_65 {strides = array<i32>} : memref<128xi32, #tpu.memory_space<vmem>>, vector<16xi32>,
      %get3A_66 = arith.constant 64 : index
      %get3A_67 = tpu.vector_load %arg5[%get3A_66] {strides = array<i32>} : memref<128xi32, #tpu.memory_space<vmem>>, vector<16xi32>,
      %get3A_68 = vector.shape_cast %get3A_67 : vector<16xi32> to vector<16xi32>
      %mul3A_69 = arith.constant 128 : i32
      %mul3A_70 = vector.broadcast %mul3A_69 : i32 to vector<16xi32>
      %mul3A_71 = arith.muli %get3A_68, %mul3A_70 : vector<16xi32>
      %iota3A_72 = tpu.iota {dimensions = array<i32: 0>} : vector<16xi32>
      %add3A_73 = arith.constant 64 : i32
      %add3A_74 = vector.broadcast %add3A_73 : i32 to vector<16xi32>
      %add3A_75 = arith.addi %iota3A_72, %add3A_74 : vector<16xi32>
      %add3A_76 = arith.addi %mul3A_71, %add3A_75 : vector<16xi32>
      %swap3A_77 = arith.constant 64 : index
      %swap3A_78 = tpu.vector_load %arg6[%swap3A_77] {strides = array<i32>} : memref<128xi32, #tpu.memory_space<vmem>>, vector<16xi32>,
      %swap3A_79 = vector.shape_cast %swap3A_78 : vector<16xi32> to vector<16xi32>
      %swap3A_80 = vector.shape_cast %add3A_76 : vector<16xi32> to vector<16xi32>
      tpu.vector_store %arg6[%swap3A_77], %swap3A_80 {strides = array<i32>} : memref<128xi32, #tpu.memory_space<vmem>>, vector<16xi32>,
      %get3A_81 = arith.constant 80 : index
      %get3A_82 = tpu.vector_load %arg5[%get3A_81] {strides = array<i32>} : memref<128xi32, #tpu.memory_space<vmem>>, vector<16xi32>,
      %get3A_83 = vector.shape_cast %get3A_82 : vector<16xi32> to vector<16xi32>
      %mul3A_84 = arith.constant 128 : i32
      %mul3A_85 = vector.broadcast %mul3A_84 : i32 to vector<16xi32>
      %mul3A_86 = arith.muli %get3A_83, %mul3A_85 : vector<16xi32>
      %iota3A_87 = tpu.iota {dimensions = array<i32: 0>} : vector<16xi32>
      %add3A_88 = arith.constant 80 : i32
      %add3A_89 = vector.broadcast %add3A_88 : i32 to vector<16xi32>
      %add3A_90 = arith.addi %iota3A_87, %add3A_89 : vector<16xi32>
      %add3A_91 = arith.addi %mul3A_86, %add3A_90 : vector<16xi32>
      %swap3A_92 = arith.constant 80 : index
      %swap3A_93 = tpu.vector_load %arg6[%swap3A_92] {strides = array<i32>} : memref<128xi32, #tpu.memory_space<vmem>>, vector<16xi32>,
      %swap3A_94 = vector.shape_cast %swap3A_93 : vector<16xi32> to vector<16xi32>
      %swap3A_95 = vector.shape_cast %add3A_91 : vector<16xi32> to vector<16xi32>
      tpu.vector_store %arg6[%swap3A_92], %swap3A_95 {strides = array<i32>} : memref<128xi32, #tpu.memory_space<vmem>>, vector<16xi32>,
      %get3A_96 = arith.constant 96 : index
      %get3A_97 = tpu.vector_load %arg5[%get3A_96] {strides = array<i32>} : memref<128xi32, #tpu.memory_space<vmem>>, vector<16xi32>,
      %get3A_98 = vector.shape_cast %get3A_97 : vector<16xi32> to vector<16xi32>
      %mul3A_99 = arith.constant 128 : i32
      %mul3A_100 = vector.broadcast %mul3A_99 : i32 to vector<16xi32>
      %mul3A_101 = arith.muli %get3A_98, %mul3A_100 : vector<16xi32>
      %iota3A_102 = tpu.iota {dimensions = array<i32: 0>} : vector<16xi32>
      %add3A_103 = arith.constant 96 : i32
      %add3A_104 = vector.broadcast %add3A_103 : i32 to vector<16xi32>
      %add3A_105 = arith.addi %iota3A_102, %add3A_104 : vector<16xi32>
      %add3A_106 = arith.addi %mul3A_101, %add3A_105 : vector<16xi32>
      %swap3A_107 = arith.constant 96 : index
      %swap3A_108 = tpu.vector_load %arg6[%swap3A_107] {strides = array<i32>} : memref<128xi32, #tpu.memory_space<vmem>>, vector<16xi32>,
      %swap3A_109 = vector.shape_cast %swap3A_108 : vector<16xi32> to vector<16xi32>
      %swap3A_110 = vector.shape_cast %add3A_106 : vector<16xi32> to vector<16xi32>
      tpu.vector_store %arg6[%swap3A_107], %swap3A_110 {strides = array<i32>} : memref<128xi32, #tpu.memory_space<vmem>>, vector<16xi32>,
      %get3A_111 = arith.constant 112 : index
      %get3A_112 = tpu.vector_load %arg5[%get3A_111] {strides = array<i32>} : memref<128xi32, #tpu.memory_space<vmem>>, vector<16xi32>,
      %get3A_113 = vector.shape_cast %get3A_112 : vector<16xi32> to vector<16xi32>
      %mul3A_114 = arith.constant 128 : i32
      %mul3A_115 = vector.broadcast %mul3A_114 : i32 to vector<16xi32>
      %mul3A_116 = arith.muli %get3A_113, %mul3A_115 : vector<16xi32>
      %iota3A_117 = tpu.iota {dimensions = array<i32: 0>} : vector<16xi32>
      %add3A_118 = arith.constant 112 : i32
      %add3A_119 = vector.broadcast %add3A_118 : i32 to vector<16xi32>
      %add3A_120 = arith.addi %iota3A_117, %add3A_119 : vector<16xi32>
      %add3A_121 = arith.addi %mul3A_116, %add3A_120 : vector<16xi32>
      %swap3A_122 = arith.constant 112 : index
      %swap3A_123 = tpu.vector_load %arg6[%swap3A_122] {strides = array<i32>} : memref<128xi32, #tpu.memory_space<vmem>>, vector<16xi32>,
      %swap3A_124 = vector.shape_cast %swap3A_123 : vector<16xi32> to vector<16xi32>
      %swap3A_125 = vector.shape_cast %add3A_121 : vector<16xi32> to vector<16xi32>
      tpu.vector_store %arg6[%swap3A_122], %swap3A_125 {strides = array<i32>} : memref<128xi32, #tpu.memory_space<vmem>>, vector<16xi32>,
      %dma_start3A = arith.constant 0 : i32
      %dma_start3A_126 = tpu.memref_slice %arg2[%dma_start3A] : memref<56448xf32, #tpu.memory_space<hbm>> -> memref<56448xf32, #tpu.memory_space<hbm>>
      tpu.enqueue_indirect_dma source(%dma_start3A_126 : memref<56448xf32, #tpu.memory_space<hbm>>) target(%arg7 : memref<128xf32, #tpu.memory_space<vmem>>) offsets(%arg6 : memref<128xi32, #tpu.memory_space<vmem>>) semaphore(%arg8 : memref<!tpu.dma_semaphore, #tpu.memory_space<semaphore_mem>>)
      %dma_wait3A = arith.constant 0 : i32
      %dma_wait3A_127 = tpu.memref_slice %arg2[%dma_wait3A] : memref<56448xf32, #tpu.memory_space<hbm>> -> memref<56448xf32, #tpu.memory_space<hbm>>
      tpu.wait_indirect_dma semaphore(%arg8 : memref<!tpu.dma_semaphore, #tpu.memory_space<semaphore_mem>>) src(%dma_wait3A_127 : memref<56448xf32, #tpu.memory_space<hbm>>) dst(%arg7 : memref<128xf32, #tpu.memory_space<vmem>>)
      "tpu.region"() ({
        %run_scoped3A = tpu.sem_alloc : memref<!tpu.dma_semaphore, #tpu.memory_space<semaphore_mem>>
        %dma_start3A_128 = arith.constant 0 : i32
        %dma_start3A_129 = tpu.memref_slice %arg4[%add3A_0, %dma_start3A_128] : memref<21x128xf32, #tpu.memory_space<hbm>> -> memref<1x128xf32, #tpu.memory_space<hbm>>
        %dma_start3A_130 = tpu.memref_squeeze %dma_start3A_129 : memref<1x128xf32, #tpu.memory_space<hbm>> -> memref<128xf32, #tpu.memory_space<hbm>>
        %dma_start3A_131 = arith.constant 0 : i32
        %dma_start3A_132 = tpu.memref_slice %arg4[%add3A_0, %dma_start3A_131] : memref<21x128xf32, #tpu.memory_space<hbm>> -> memref<1x128xf32, #tpu.memory_space<hbm>>
        %dma_start3A_133 = tpu.memref_squeeze %dma_start3A_132 : memref<1x128xf32, #tpu.memory_space<hbm>> -> memref<128xf32, #tpu.memory_space<hbm>>
        tpu.enqueue_dma source(%arg7 : memref<128xf32, #tpu.memory_space<vmem>>) target(%dma_start3A_133 : memref<128xf32, #tpu.memory_space<hbm>>) target_semaphore(%run_scoped3A : memref<!tpu.dma_semaphore, #tpu.memory_space<semaphore_mem>>)
        %dma_wait3A_134 = arith.constant 0 : i32
        %dma_wait3A_135 = tpu.memref_slice %arg4[%add3A_0, %dma_wait3A_134] : memref<21x128xf32, #tpu.memory_space<hbm>> -> memref<1x128xf32, #tpu.memory_space<hbm>>
        %dma_wait3A_136 = tpu.memref_squeeze %dma_wait3A_135 : memref<1x128xf32, #tpu.memory_space<hbm>> -> memref<128xf32, #tpu.memory_space<hbm>>
        %dma_wait3A_137 = arith.constant 0 : i32
        %dma_wait3A_138 = tpu.memref_slice %arg4[%add3A_0, %dma_wait3A_137] : memref<21x128xf32, #tpu.memory_space<hbm>> -> memref<1x128xf32, #tpu.memory_space<hbm>>
        %dma_wait3A_139 = tpu.memref_squeeze %dma_wait3A_138 : memref<1x128xf32, #tpu.memory_space<hbm>> -> memref<128xf32, #tpu.memory_space<hbm>>
        tpu.wait_dma2 semaphore(%run_scoped3A : memref<!tpu.dma_semaphore, #tpu.memory_space<semaphore_mem>>) src(%arg7 : memref<128xf32, #tpu.memory_space<vmem>>) dst(%dma_wait3A_139 : memref<128xf32, #tpu.memory_space<hbm>>)
        tpu.yield
      }) : () -> ()
    } else {
    }
    %add3A_3 = arith.constant 16 : i32
    %add3A_4 = arith.addi %arg1, %add3A_3 : i32
    %lt3A_5 = arith.constant 21 : i32
    %lt3A_6 = arith.cmpi slt, %add3A_4, %lt3A_5 : i32
    %convert_element_type3A_7 = arith.extui %lt3A_6 : i1 to i32
    %cond3A_8 = arith.constant 0 : i32
    %cond3A_9 = arith.cmpi ne, %convert_element_type3A_7, %cond3A_8 : i32
    scf.if %cond3A_9 {
      "tpu.region"() ({
        %run_scoped3A = tpu.sem_alloc : memref<!tpu.dma_semaphore, #tpu.memory_space<semaphore_mem>>
        %dma_start3A_128 = arith.constant 0 : i32
        %dma_start3A_129 = tpu.memref_slice %arg3[%add3A_4, %dma_start3A_128] : memref<21x128xi32, #tpu.memory_space<hbm>> -> memref<1x128xi32, #tpu.memory_space<hbm>>
        %dma_start3A_130 = tpu.memref_squeeze %dma_start3A_129 : memref<1x128xi32, #tpu.memory_space<hbm>> -> memref<128xi32, #tpu.memory_space<hbm>>
        %dma_start3A_131 = arith.constant 0 : i32
        %dma_start3A_132 = tpu.memref_slice %arg3[%add3A_4, %dma_start3A_131] : memref<21x128xi32, #tpu.memory_space<hbm>> -> memref<1x128xi32, #tpu.memory_space<hbm>>
        %dma_start3A_133 = tpu.memref_squeeze %dma_start3A_132 : memref<1x128xi32, #tpu.memory_space<hbm>> -> memref<128xi32, #tpu.memory_space<hbm>>
        tpu.enqueue_dma source(%dma_start3A_133 : memref<128xi32, #tpu.memory_space<hbm>>) target(%arg5 : memref<128xi32, #tpu.memory_space<vmem>>) target_semaphore(%run_scoped3A : memref<!tpu.dma_semaphore, #tpu.memory_space<semaphore_mem>>)
        %dma_wait3A_134 = arith.constant 0 : i32
        %dma_wait3A_135 = tpu.memref_slice %arg3[%add3A_4, %dma_wait3A_134] : memref<21x128xi32, #tpu.memory_space<hbm>> -> memref<1x128xi32, #tpu.memory_space<hbm>>
        %dma_wait3A_136 = tpu.memref_squeeze %dma_wait3A_135 : memref<1x128xi32, #tpu.memory_space<hbm>> -> memref<128xi32, #tpu.memory_space<hbm>>
        %dma_wait3A_137 = arith.constant 0 : i32
        %dma_wait3A_138 = tpu.memref_slice %arg3[%add3A_4, %dma_wait3A_137] : memref<21x128xi32, #tpu.memory_space<hbm>> -> memref<1x128xi32, #tpu.memory_space<hbm>>
        %dma_wait3A_139 = tpu.memref_squeeze %dma_wait3A_138 : memref<1x128xi32, #tpu.memory_space<hbm>> -> memref<128xi32, #tpu.memory_space<hbm>>
        tpu.wait_dma2 semaphore(%run_scoped3A : memref<!tpu.dma_semaphore, #tpu.memory_space<semaphore_mem>>) src(%dma_wait3A_139 : memref<128xi32, #tpu.memory_space<hbm>>) dst(%arg5 : memref<128xi32, #tpu.memory_space<vmem>>)
        tpu.yield
      }) : () -> ()
      %get3A = arith.constant 0 : index
      %get3A_10 = tpu.vector_load %arg5[%get3A] {strides = array<i32>} : memref<128xi32, #tpu.memory_space<vmem>>, vector<16xi32>,
      %get3A_11 = vector.shape_cast %get3A_10 : vector<16xi32> to vector<16xi32>
      %mul3A = arith.constant 128 : i32
      %mul3A_12 = vector.broadcast %mul3A : i32 to vector<16xi32>
      %mul3A_13 = arith.muli %get3A_11, %mul3A_12 : vector<16xi32>
      %iota3A = tpu.iota {dimensions = array<i32: 0>} : vector<16xi32>
      %add3A_14 = arith.constant 0 : i32
      %add3A_15 = vector.broadcast %add3A_14 : i32 to vector<16xi32>
      %add3A_16 = arith.addi %iota3A, %add3A_15 : vector<16xi32>
      %add3A_17 = arith.addi %mul3A_13, %add3A_16 : vector<16xi32>
      %swap3A = arith.constant 0 : index
      %swap3A_18 = tpu.vector_load %arg6[%swap3A] {strides = array<i32>} : memref<128xi32, #tpu.memory_space<vmem>>, vector<16xi32>,
      %swap3A_19 = vector.shape_cast %swap3A_18 : vector<16xi32> to vector<16xi32>
      %swap3A_20 = vector.shape_cast %add3A_17 : vector<16xi32> to vector<16xi32>
      tpu.vector_store %arg6[%swap3A], %swap3A_20 {strides = array<i32>} : memref<128xi32, #tpu.memory_space<vmem>>, vector<16xi32>,
      %get3A_21 = arith.constant 16 : index
      %get3A_22 = tpu.vector_load %arg5[%get3A_21] {strides = array<i32>} : memref<128xi32, #tpu.memory_space<vmem>>, vector<16xi32>,
      %get3A_23 = vector.shape_cast %get3A_22 : vector<16xi32> to vector<16xi32>
      %mul3A_24 = arith.constant 128 : i32
      %mul3A_25 = vector.broadcast %mul3A_24 : i32 to vector<16xi32>
      %mul3A_26 = arith.muli %get3A_23, %mul3A_25 : vector<16xi32>
      %iota3A_27 = tpu.iota {dimensions = array<i32: 0>} : vector<16xi32>
      %add3A_28 = arith.constant 16 : i32
      %add3A_29 = vector.broadcast %add3A_28 : i32 to vector<16xi32>
      %add3A_30 = arith.addi %iota3A_27, %add3A_29 : vector<16xi32>
      %add3A_31 = arith.addi %mul3A_26, %add3A_30 : vector<16xi32>
      %swap3A_32 = arith.constant 16 : index
      %swap3A_33 = tpu.vector_load %arg6[%swap3A_32] {strides = array<i32>} : memref<128xi32, #tpu.memory_space<vmem>>, vector<16xi32>,
      %swap3A_34 = vector.shape_cast %swap3A_33 : vector<16xi32> to vector<16xi32>
      %swap3A_35 = vector.shape_cast %add3A_31 : vector<16xi32> to vector<16xi32>
      tpu.vector_store %arg6[%swap3A_32], %swap3A_35 {strides = array<i32>} : memref<128xi32, #tpu.memory_space<vmem>>, vector<16xi32>,
      %get3A_36 = arith.constant 32 : index
      %get3A_37 = tpu.vector_load %arg5[%get3A_36] {strides = array<i32>} : memref<128xi32, #tpu.memory_space<vmem>>, vector<16xi32>,
      %get3A_38 = vector.shape_cast %get3A_37 : vector<16xi32> to vector<16xi32>
      %mul3A_39 = arith.constant 128 : i32
      %mul3A_40 = vector.broadcast %mul3A_39 : i32 to vector<16xi32>
      %mul3A_41 = arith.muli %get3A_38, %mul3A_40 : vector<16xi32>
      %iota3A_42 = tpu.iota {dimensions = array<i32: 0>} : vector<16xi32>
      %add3A_43 = arith.constant 32 : i32
      %add3A_44 = vector.broadcast %add3A_43 : i32 to vector<16xi32>
      %add3A_45 = arith.addi %iota3A_42, %add3A_44 : vector<16xi32>
      %add3A_46 = arith.addi %mul3A_41, %add3A_45 : vector<16xi32>
      %swap3A_47 = arith.constant 32 : index
      %swap3A_48 = tpu.vector_load %arg6[%swap3A_47] {strides = array<i32>} : memref<128xi32, #tpu.memory_space<vmem>>, vector<16xi32>,
      %swap3A_49 = vector.shape_cast %swap3A_48 : vector<16xi32> to vector<16xi32>
      %swap3A_50 = vector.shape_cast %add3A_46 : vector<16xi32> to vector<16xi32>
      tpu.vector_store %arg6[%swap3A_47], %swap3A_50 {strides = array<i32>} : memref<128xi32, #tpu.memory_space<vmem>>, vector<16xi32>,
      %get3A_51 = arith.constant 48 : index
      %get3A_52 = tpu.vector_load %arg5[%get3A_51] {strides = array<i32>} : memref<128xi32, #tpu.memory_space<vmem>>, vector<16xi32>,
      %get3A_53 = vector.shape_cast %get3A_52 : vector<16xi32> to vector<16xi32>
      %mul3A_54 = arith.constant 128 : i32
      %mul3A_55 = vector.broadcast %mul3A_54 : i32 to vector<16xi32>
      %mul3A_56 = arith.muli %get3A_53, %mul3A_55 : vector<16xi32>
      %iota3A_57 = tpu.iota {dimensions = array<i32: 0>} : vector<16xi32>
      %add3A_58 = arith.constant 48 : i32
      %add3A_59 = vector.broadcast %add3A_58 : i32 to vector<16xi32>
      %add3A_60 = arith.addi %iota3A_57, %add3A_59 : vector<16xi32>
      %add3A_61 = arith.addi %mul3A_56, %add3A_60 : vector<16xi32>
      %swap3A_62 = arith.constant 48 : index
      %swap3A_63 = tpu.vector_load %arg6[%swap3A_62] {strides = array<i32>} : memref<128xi32, #tpu.memory_space<vmem>>, vector<16xi32>,
      %swap3A_64 = vector.shape_cast %swap3A_63 : vector<16xi32> to vector<16xi32>
      %swap3A_65 = vector.shape_cast %add3A_61 : vector<16xi32> to vector<16xi32>
      tpu.vector_store %arg6[%swap3A_62], %swap3A_65 {strides = array<i32>} : memref<128xi32, #tpu.memory_space<vmem>>, vector<16xi32>,
      %get3A_66 = arith.constant 64 : index
      %get3A_67 = tpu.vector_load %arg5[%get3A_66] {strides = array<i32>} : memref<128xi32, #tpu.memory_space<vmem>>, vector<16xi32>,
      %get3A_68 = vector.shape_cast %get3A_67 : vector<16xi32> to vector<16xi32>
      %mul3A_69 = arith.constant 128 : i32
      %mul3A_70 = vector.broadcast %mul3A_69 : i32 to vector<16xi32>
      %mul3A_71 = arith.muli %get3A_68, %mul3A_70 : vector<16xi32>
      %iota3A_72 = tpu.iota {dimensions = array<i32: 0>} : vector<16xi32>
      %add3A_73 = arith.constant 64 : i32
      %add3A_74 = vector.broadcast %add3A_73 : i32 to vector<16xi32>
      %add3A_75 = arith.addi %iota3A_72, %add3A_74 : vector<16xi32>
      %add3A_76 = arith.addi %mul3A_71, %add3A_75 : vector<16xi32>
      %swap3A_77 = arith.constant 64 : index
      %swap3A_78 = tpu.vector_load %arg6[%swap3A_77] {strides = array<i32>} : memref<128xi32, #tpu.memory_space<vmem>>, vector<16xi32>,
      %swap3A_79 = vector.shape_cast %swap3A_78 : vector<16xi32> to vector<16xi32>
      %swap3A_80 = vector.shape_cast %add3A_76 : vector<16xi32> to vector<16xi32>
      tpu.vector_store %arg6[%swap3A_77], %swap3A_80 {strides = array<i32>} : memref<128xi32, #tpu.memory_space<vmem>>, vector<16xi32>,
      %get3A_81 = arith.constant 80 : index
      %get3A_82 = tpu.vector_load %arg5[%get3A_81] {strides = array<i32>} : memref<128xi32, #tpu.memory_space<vmem>>, vector<16xi32>,
      %get3A_83 = vector.shape_cast %get3A_82 : vector<16xi32> to vector<16xi32>
      %mul3A_84 = arith.constant 128 : i32
      %mul3A_85 = vector.broadcast %mul3A_84 : i32 to vector<16xi32>
      %mul3A_86 = arith.muli %get3A_83, %mul3A_85 : vector<16xi32>
      %iota3A_87 = tpu.iota {dimensions = array<i32: 0>} : vector<16xi32>
      %add3A_88 = arith.constant 80 : i32
      %add3A_89 = vector.broadcast %add3A_88 : i32 to vector<16xi32>
      %add3A_90 = arith.addi %iota3A_87, %add3A_89 : vector<16xi32>
      %add3A_91 = arith.addi %mul3A_86, %add3A_90 : vector<16xi32>
      %swap3A_92 = arith.constant 80 : index
      %swap3A_93 = tpu.vector_load %arg6[%swap3A_92] {strides = array<i32>} : memref<128xi32, #tpu.memory_space<vmem>>, vector<16xi32>,
      %swap3A_94 = vector.shape_cast %swap3A_93 : vector<16xi32> to vector<16xi32>
      %swap3A_95 = vector.shape_cast %add3A_91 : vector<16xi32> to vector<16xi32>
      tpu.vector_store %arg6[%swap3A_92], %swap3A_95 {strides = array<i32>} : memref<128xi32, #tpu.memory_space<vmem>>, vector<16xi32>,
      %get3A_96 = arith.constant 96 : index
      %get3A_97 = tpu.vector_load %arg5[%get3A_96] {strides = array<i32>} : memref<128xi32, #tpu.memory_space<vmem>>, vector<16xi32>,
      %get3A_98 = vector.shape_cast %get3A_97 : vector<16xi32> to vector<16xi32>
      %mul3A_99 = arith.constant 128 : i32
      %mul3A_100 = vector.broadcast %mul3A_99 : i32 to vector<16xi32>
      %mul3A_101 = arith.muli %get3A_98, %mul3A_100 : vector<16xi32>
      %iota3A_102 = tpu.iota {dimensions = array<i32: 0>} : vector<16xi32>
      %add3A_103 = arith.constant 96 : i32
      %add3A_104 = vector.broadcast %add3A_103 : i32 to vector<16xi32>
      %add3A_105 = arith.addi %iota3A_102, %add3A_104 : vector<16xi32>
      %add3A_106 = arith.addi %mul3A_101, %add3A_105 : vector<16xi32>
      %swap3A_107 = arith.constant 96 : index
      %swap3A_108 = tpu.vector_load %arg6[%swap3A_107] {strides = array<i32>} : memref<128xi32, #tpu.memory_space<vmem>>, vector<16xi32>,
      %swap3A_109 = vector.shape_cast %swap3A_108 : vector<16xi32> to vector<16xi32>
      %swap3A_110 = vector.shape_cast %add3A_106 : vector<16xi32> to vector<16xi32>
      tpu.vector_store %arg6[%swap3A_107], %swap3A_110 {strides = array<i32>} : memref<128xi32, #tpu.memory_space<vmem>>, vector<16xi32>,
      %get3A_111 = arith.constant 112 : index
      %get3A_112 = tpu.vector_load %arg5[%get3A_111] {strides = array<i32>} : memref<128xi32, #tpu.memory_space<vmem>>, vector<16xi32>,
      %get3A_113 = vector.shape_cast %get3A_112 : vector<16xi32> to vector<16xi32>
      %mul3A_114 = arith.constant 128 : i32
      %mul3A_115 = vector.broadcast %mul3A_114 : i32 to vector<16xi32>
      %mul3A_116 = arith.muli %get3A_113, %mul3A_115 : vector<16xi32>
      %iota3A_117 = tpu.iota {dimensions = array<i32: 0>} : vector<16xi32>
      %add3A_118 = arith.constant 112 : i32
      %add3A_119 = vector.broadcast %add3A_118 : i32 to vector<16xi32>
      %add3A_120 = arith.addi %iota3A_117, %add3A_119 : vector<16xi32>
      %add3A_121 = arith.addi %mul3A_116, %add3A_120 : vector<16xi32>
      %swap3A_122 = arith.constant 112 : index
      %swap3A_123 = tpu.vector_load %arg6[%swap3A_122] {strides = array<i32>} : memref<128xi32, #tpu.memory_space<vmem>>, vector<16xi32>,
      %swap3A_124 = vector.shape_cast %swap3A_123 : vector<16xi32> to vector<16xi32>
      %swap3A_125 = vector.shape_cast %add3A_121 : vector<16xi32> to vector<16xi32>
      tpu.vector_store %arg6[%swap3A_122], %swap3A_125 {strides = array<i32>} : memref<128xi32, #tpu.memory_space<vmem>>, vector<16xi32>,
      %dma_start3A = arith.constant 0 : i32
      %dma_start3A_126 = tpu.memref_slice %arg2[%dma_start3A] : memref<56448xf32, #tpu.memory_space<hbm>> -> memref<56448xf32, #tpu.memory_space<hbm>>
      tpu.enqueue_indirect_dma source(%dma_start3A_126 : memref<56448xf32, #tpu.memory_space<hbm>>) target(%arg7 : memref<128xf32, #tpu.memory_space<vmem>>) offsets(%arg6 : memref<128xi32, #tpu.memory_space<vmem>>) semaphore(%arg8 : memref<!tpu.dma_semaphore, #tpu.memory_space<semaphore_mem>>)
      %dma_wait3A = arith.constant 0 : i32
      %dma_wait3A_127 = tpu.memref_slice %arg2[%dma_wait3A] : memref<56448xf32, #tpu.memory_space<hbm>> -> memref<56448xf32, #tpu.memory_space<hbm>>
      tpu.wait_indirect_dma semaphore(%arg8 : memref<!tpu.dma_semaphore, #tpu.memory_space<semaphore_mem>>) src(%dma_wait3A_127 : memref<56448xf32, #tpu.memory_space<hbm>>) dst(%arg7 : memref<128xf32, #tpu.memory_space<vmem>>)
      "tpu.region"() ({
        %run_scoped3A = tpu.sem_alloc : memref<!tpu.dma_semaphore, #tpu.memory_space<semaphore_mem>>
        %dma_start3A_128 = arith.constant 0 : i32
        %dma_start3A_129 = tpu.memref_slice %arg4[%add3A_4, %dma_start3A_128] : memref<21x128xf32, #tpu.memory_space<hbm>> -> memref<1x128xf32, #tpu.memory_space<hbm>>
        %dma_start3A_130 = tpu.memref_squeeze %dma_start3A_129 : memref<1x128xf32, #tpu.memory_space<hbm>> -> memref<128xf32, #tpu.memory_space<hbm>>
        %dma_start3A_131 = arith.constant 0 : i32
        %dma_start3A_132 = tpu.memref_slice %arg4[%add3A_4, %dma_start3A_131] : memref<21x128xf32, #tpu.memory_space<hbm>> -> memref<1x128xf32, #tpu.memory_space<hbm>>
        %dma_start3A_133 = tpu.memref_squeeze %dma_start3A_132 : memref<1x128xf32, #tpu.memory_space<hbm>> -> memref<128xf32, #tpu.memory_space<hbm>>
        tpu.enqueue_dma source(%arg7 : memref<128xf32, #tpu.memory_space<vmem>>) target(%dma_start3A_133 : memref<128xf32, #tpu.memory_space<hbm>>) target_semaphore(%run_scoped3A : memref<!tpu.dma_semaphore, #tpu.memory_space<semaphore_mem>>)
        %dma_wait3A_134 = arith.constant 0 : i32
        %dma_wait3A_135 = tpu.memref_slice %arg4[%add3A_4, %dma_wait3A_134] : memref<21x128xf32, #tpu.memory_space<hbm>> -> memref<1x128xf32, #tpu.memory_space<hbm>>
        %dma_wait3A_136 = tpu.memref_squeeze %dma_wait3A_135 : memref<1x128xf32, #tpu.memory_space<hbm>> -> memref<128xf32, #tpu.memory_space<hbm>>
        %dma_wait3A_137 = arith.constant 0 : i32
        %dma_wait3A_138 = tpu.memref_slice %arg4[%add3A_4, %dma_wait3A_137] : memref<21x128xf32, #tpu.memory_space<hbm>> -> memref<1x128xf32, #tpu.memory_space<hbm>>
        %dma_wait3A_139 = tpu.memref_squeeze %dma_wait3A_138 : memref<1x128xf32, #tpu.memory_space<hbm>> -> memref<128xf32, #tpu.memory_space<hbm>>
        tpu.wait_dma2 semaphore(%run_scoped3A : memref<!tpu.dma_semaphore, #tpu.memory_space<semaphore_mem>>) src(%arg7 : memref<128xf32, #tpu.memory_space<vmem>>) dst(%dma_wait3A_139 : memref<128xf32, #tpu.memory_space<hbm>>)
        tpu.yield
      }) : () -> ()
    } else {
    }
    return
  }
}

module attributes {stable_mosaic.version = 14 : i64} {
  func.func @_ssq_body(%arg0: i32, %arg1: memref<441x1024xf32, #tpu.memory_space<vmem>>, %arg2: memref<441x1024xf32, #tpu.memory_space<vmem>>, %arg3: memref<441x1024xf32, #tpu.memory_space<vmem>>, %arg4: memref<441x1024xf32, #tpu.memory_space<vmem>>, %arg5: memref<1xf32, #tpu.memory_space<smem>>, %arg6: memref<1xf32, #tpu.memory_space<smem>>) attributes {dimension_semantics = [#tpu.dimension_semantics<arbitrary>], iteration_bounds = array<i64: 4>, scalar_prefetch = 0 : i64, scratch_operands = 1 : i64, tpu.core_type = #tpu.core_type<tc>, window_params = [{transform_indices = @transform_0, window_bounds = array<i64: 441, 1024>}, {transform_indices = @transform_1, window_bounds = array<i64: 441, 1024>}, {transform_indices = @transform_2, window_bounds = array<i64: 441, 1024>}, {transform_indices = @transform_3, window_bounds = array<i64: 441, 1024>}, {transform_indices = @transform_4, window_bounds = array<i64: 1>}]} {
    %eq3A = arith.constant 0 : i32
    %eq3A_0 = arith.cmpi eq, %arg0, %eq3A : i32
    %convert_element_type3A = arith.extui %eq3A_0 : i1 to i32
    %cond3A = arith.constant 0 : i32
    %cond3A_1 = arith.cmpi ne, %convert_element_type3A, %cond3A : i32
    scf.if %cond3A_1 {
      %swap3A_48 = arith.constant 0.000000e+00 : f32
      %swap3A_49 = arith.constant 0 : index
      %swap3A_50 = memref.load %arg6[%swap3A_49] : memref<1xf32, #tpu.memory_space<smem>>
      memref.store %swap3A_48, %arg6[%swap3A_49] : memref<1xf32, #tpu.memory_space<smem>>
    } else {
    }
    %get3A = arith.constant 0 : index
    %get3A_2 = arith.constant 0 : index
    %get3A_3 = vector.load %arg1[%get3A, %get3A_2] : memref<441x1024xf32, #tpu.memory_space<vmem>>, vector<441x1024xf32>
    %mul3A = arith.mulf %get3A_3, %get3A_3 : vector<441x1024xf32>
    %reduce_sum3A = vector.shape_cast %mul3A : vector<441x1024xf32> to vector<1x441x1024xf32>
    %reduce_sum3A_4 = arith.constant dense<0.000000e+00> : vector<1xf32>
    %reduce_sum3A_5 = vector.multi_reduction <add>, %reduce_sum3A, %reduce_sum3A_4 [1, 2] : vector<1x441x1024xf32> to vector<1xf32>
    %reduce_sum3A_6 = vector.shape_cast %reduce_sum3A_5 : vector<1xf32> to vector<1x1x1xf32>
    %reduce_sum3A_7 = vector.extract %reduce_sum3A_6[0, 0, 0] : f32 from vector<1x1x1xf32>
    %add3A = arith.constant 0.000000e+00 : f32
    %add3A_8 = arith.addf %add3A, %reduce_sum3A_7 : f32
    %get3A_9 = arith.constant 0 : index
    %get3A_10 = arith.constant 0 : index
    %get3A_11 = vector.load %arg2[%get3A_9, %get3A_10] : memref<441x1024xf32, #tpu.memory_space<vmem>>, vector<441x1024xf32>
    %mul3A_12 = arith.mulf %get3A_11, %get3A_11 : vector<441x1024xf32>
    %reduce_sum3A_13 = vector.shape_cast %mul3A_12 : vector<441x1024xf32> to vector<1x441x1024xf32>
    %reduce_sum3A_14 = arith.constant dense<0.000000e+00> : vector<1xf32>
    %reduce_sum3A_15 = vector.multi_reduction <add>, %reduce_sum3A_13, %reduce_sum3A_14 [1, 2] : vector<1x441x1024xf32> to vector<1xf32>
    %reduce_sum3A_16 = vector.shape_cast %reduce_sum3A_15 : vector<1xf32> to vector<1x1x1xf32>
    %reduce_sum3A_17 = vector.extract %reduce_sum3A_16[0, 0, 0] : f32 from vector<1x1x1xf32>
    %add3A_18 = arith.addf %add3A_8, %reduce_sum3A_17 : f32
    %get3A_19 = arith.constant 0 : index
    %get3A_20 = arith.constant 0 : index
    %get3A_21 = vector.load %arg3[%get3A_19, %get3A_20] : memref<441x1024xf32, #tpu.memory_space<vmem>>, vector<441x1024xf32>
    %mul3A_22 = arith.mulf %get3A_21, %get3A_21 : vector<441x1024xf32>
    %reduce_sum3A_23 = vector.shape_cast %mul3A_22 : vector<441x1024xf32> to vector<1x441x1024xf32>
    %reduce_sum3A_24 = arith.constant dense<0.000000e+00> : vector<1xf32>
    %reduce_sum3A_25 = vector.multi_reduction <add>, %reduce_sum3A_23, %reduce_sum3A_24 [1, 2] : vector<1x441x1024xf32> to vector<1xf32>
    %reduce_sum3A_26 = vector.shape_cast %reduce_sum3A_25 : vector<1xf32> to vector<1x1x1xf32>
    %reduce_sum3A_27 = vector.extract %reduce_sum3A_26[0, 0, 0] : f32 from vector<1x1x1xf32>
    %add3A_28 = arith.addf %add3A_18, %reduce_sum3A_27 : f32
    %get3A_29 = arith.constant 0 : index
    %get3A_30 = arith.constant 0 : index
    %get3A_31 = vector.load %arg4[%get3A_29, %get3A_30] : memref<441x1024xf32, #tpu.memory_space<vmem>>, vector<441x1024xf32>
    %mul3A_32 = arith.mulf %get3A_31, %get3A_31 : vector<441x1024xf32>
    %reduce_sum3A_33 = vector.shape_cast %mul3A_32 : vector<441x1024xf32> to vector<1x441x1024xf32>
    %reduce_sum3A_34 = arith.constant dense<0.000000e+00> : vector<1xf32>
    %reduce_sum3A_35 = vector.multi_reduction <add>, %reduce_sum3A_33, %reduce_sum3A_34 [1, 2] : vector<1x441x1024xf32> to vector<1xf32>
    %reduce_sum3A_36 = vector.shape_cast %reduce_sum3A_35 : vector<1xf32> to vector<1x1x1xf32>
    %reduce_sum3A_37 = vector.extract %reduce_sum3A_36[0, 0, 0] : f32 from vector<1x1x1xf32>
    %add3A_38 = arith.addf %add3A_28, %reduce_sum3A_37 : f32
    %get3A_39 = arith.constant 0 : index
    %get3A_40 = memref.load %arg6[%get3A_39] : memref<1xf32, #tpu.memory_space<smem>>
    %add3A_41 = arith.addf %get3A_40, %add3A_38 : f32
    %swap3A = arith.constant 0 : index
    %swap3A_42 = memref.load %arg6[%swap3A] : memref<1xf32, #tpu.memory_space<smem>>
    memref.store %add3A_41, %arg6[%swap3A] : memref<1xf32, #tpu.memory_space<smem>>
    %eq3A_43 = arith.constant 3 : i32
    %eq3A_44 = arith.cmpi eq, %arg0, %eq3A_43 : i32
    %convert_element_type3A_45 = arith.extui %eq3A_44 : i1 to i32
    %cond3A_46 = arith.constant 0 : i32
    %cond3A_47 = arith.cmpi ne, %convert_element_type3A_45, %cond3A_46 : i32
    scf.if %cond3A_47 {
      %get3A_48 = arith.constant 0 : index
      %get3A_49 = memref.load %arg6[%get3A_48] : memref<1xf32, #tpu.memory_space<smem>>
      %swap3A_50 = arith.constant 0 : index
      %swap3A_51 = memref.load %arg5[%swap3A_50] : memref<1xf32, #tpu.memory_space<smem>>
      memref.store %get3A_49, %arg5[%swap3A_50] : memref<1xf32, #tpu.memory_space<smem>>
    } else {
    }
    return
  }
  func.func @transform_0(%arg0: i32) -> (i32, i32) {
    %add3A = arith.constant 0 : i32
    %add3A_0 = arith.addi %arg0, %add3A : i32
    %c0_i32 = arith.constant 0 : i32
    %c0_i32_1 = arith.constant 0 : i32
    return %c0_i32, %add3A_0 : i32, i32
  }
  func.func @transform_1(%arg0: i32) -> (i32, i32) {
    %add3A = arith.constant 4 : i32
    %add3A_0 = arith.addi %arg0, %add3A : i32
    %c0_i32 = arith.constant 0 : i32
    %c0_i32_1 = arith.constant 0 : i32
    return %c0_i32, %add3A_0 : i32, i32
  }
  func.func @transform_2(%arg0: i32) -> (i32, i32) {
    %add3A = arith.constant 8 : i32
    %add3A_0 = arith.addi %arg0, %add3A : i32
    %c0_i32 = arith.constant 0 : i32
    %c0_i32_1 = arith.constant 0 : i32
    return %c0_i32, %add3A_0 : i32, i32
  }
  func.func @transform_3(%arg0: i32) -> (i32, i32) {
    %add3A = arith.constant 12 : i32
    %add3A_0 = arith.addi %arg0, %add3A : i32
    %c0_i32 = arith.constant 0 : i32
    %c0_i32_1 = arith.constant 0 : i32
    return %c0_i32, %add3A_0 : i32, i32
  }
  func.func @transform_4(%arg0: i32) -> i32 {
    %c0_i32 = arith.constant 0 : i32
    %c0_i32_0 = arith.constant 0 : i32
    return %c0_i32 : i32
  }
}

module attributes {stable_mosaic.version = 14 : i64} {
  func.func @_epilogue_body(%arg0: memref<1xi32, #tpu.memory_space<smem>>, %arg1: memref<1xi32, #tpu.memory_space<smem>>, %arg2: memref<1xf32, #tpu.memory_space<smem>>, %arg3: memref<1xf32, #tpu.memory_space<smem>>, %arg4: memref<21x128xf32, #tpu.memory_space<vmem>>, %arg5: memref<21x128xf32, #tpu.memory_space<vmem>>, %arg6: memref<1xf32, #tpu.memory_space<smem>>) attributes {dimension_semantics = [], scalar_prefetch = 0 : i64, scratch_operands = 0 : i64, tpu.core_type = #tpu.core_type<tc>} {
    %get3A = arith.constant 0 : index
    %get3A_0 = memref.load %arg0[%get3A] : memref<1xi32, #tpu.memory_space<smem>>
    %get3A_1 = arith.constant 0 : index
    %get3A_2 = memref.load %arg1[%get3A_1] : memref<1xi32, #tpu.memory_space<smem>>
    %iota3A = tpu.iota {dimensions = array<i32: 1>} : vector<21x128xi32>
    %ne3A = vector.broadcast %get3A_0 : i32 to vector<21x128xi32>
    %ne3A_3 = arith.cmpi ne, %iota3A, %ne3A : vector<21x128xi32>
    %convert_element_type3A = arith.extui %ne3A_3 : vector<21x128xi1> to vector<21x128xi32>
    %convert_element_type3A_4 = arith.sitofp %convert_element_type3A : vector<21x128xi32> to vector<21x128xf32>
    %get3A_5 = arith.constant 0 : index
    %get3A_6 = arith.constant 0 : index
    %get3A_7 = vector.load %arg5[%get3A_5, %get3A_6] : memref<21x128xf32, #tpu.memory_space<vmem>>, vector<21x128xf32>
    %mul3A = arith.mulf %get3A_7, %convert_element_type3A_4 : vector<21x128xf32>
    %reduce_sum3A = arith.constant dense<0.000000e+00> : vector<21xf32>
    %reduce_sum3A_8 = vector.multi_reduction <add>, %mul3A, %reduce_sum3A [1] : vector<21x128xf32> to vector<21xf32>
    %broadcast_in_dim3A = vector.shape_cast %reduce_sum3A_8 : vector<21xf32> to vector<21x1xf32>
    %eq3A = vector.broadcast %get3A_0 : i32 to vector<21x128xi32>
    %eq3A_9 = arith.cmpi eq, %iota3A, %eq3A : vector<21x128xi32>
    %convert_element_type3A_10 = arith.extui %eq3A_9 : vector<21x128xi1> to vector<21x128xi32>
    %convert_element_type3A_11 = arith.sitofp %convert_element_type3A_10 : vector<21x128xi32> to vector<21x128xf32>
    %get3A_12 = arith.constant 0 : index
    %get3A_13 = arith.constant 0 : index
    %get3A_14 = vector.load %arg4[%get3A_12, %get3A_13] : memref<21x128xf32, #tpu.memory_space<vmem>>, vector<21x128xf32>
    %mul3A_15 = arith.mulf %get3A_14, %convert_element_type3A_11 : vector<21x128xf32>
    %reduce_sum3A_16 = arith.constant dense<0.000000e+00> : vector<21xf32>
    %reduce_sum3A_17 = vector.multi_reduction <add>, %mul3A_15, %reduce_sum3A_16 [1] : vector<21x128xf32> to vector<21xf32>
    %broadcast_in_dim3A_18 = vector.shape_cast %reduce_sum3A_17 : vector<21xf32> to vector<21x1xf32>
    %add3A = arith.addf %broadcast_in_dim3A_18, %broadcast_in_dim3A : vector<21x1xf32>
    %exp3A = math.exp %add3A : vector<21x1xf32>
    %reduce_sum3A_19 = vector.shape_cast %exp3A : vector<21x1xf32> to vector<1x21x1xf32>
    %reduce_sum3A_20 = arith.constant dense<0.000000e+00> : vector<1xf32>
    %reduce_sum3A_21 = vector.multi_reduction <add>, %reduce_sum3A_19, %reduce_sum3A_20 [1, 2] : vector<1x21x1xf32> to vector<1xf32>
    %reduce_sum3A_22 = vector.shape_cast %reduce_sum3A_21 : vector<1xf32> to vector<1x1x1xf32>
    %reduce_sum3A_23 = vector.extract %reduce_sum3A_22[0, 0, 0] : f32 from vector<1x1x1xf32>
    %iota3A_24 = tpu.iota {dimensions = array<i32: 0>} : vector<21x1xi32>
    %eq3A_25 = vector.broadcast %get3A_2 : i32 to vector<21x1xi32>
    %eq3A_26 = arith.cmpi eq, %iota3A_24, %eq3A_25 : vector<21x1xi32>
    %convert_element_type3A_27 = arith.extui %eq3A_26 : vector<21x1xi1> to vector<21x1xi32>
    %convert_element_type3A_28 = arith.sitofp %convert_element_type3A_27 : vector<21x1xi32> to vector<21x1xf32>
    %mul3A_29 = arith.mulf %add3A, %convert_element_type3A_28 : vector<21x1xf32>
    %reduce_sum3A_30 = vector.shape_cast %mul3A_29 : vector<21x1xf32> to vector<1x21x1xf32>
    %reduce_sum3A_31 = arith.constant dense<0.000000e+00> : vector<1xf32>
    %reduce_sum3A_32 = vector.multi_reduction <add>, %reduce_sum3A_30, %reduce_sum3A_31 [1, 2] : vector<1x21x1xf32> to vector<1xf32>
    %reduce_sum3A_33 = vector.shape_cast %reduce_sum3A_32 : vector<1xf32> to vector<1x1x1xf32>
    %reduce_sum3A_34 = vector.extract %reduce_sum3A_33[0, 0, 0] : f32 from vector<1x1x1xf32>
    %mul3A_35 = arith.mulf %get3A_14, %get3A_14 : vector<21x128xf32>
    %reduce_sum3A_36 = vector.shape_cast %mul3A_35 : vector<21x128xf32> to vector<1x21x128xf32>
    %reduce_sum3A_37 = arith.constant dense<0.000000e+00> : vector<1xf32>
    %reduce_sum3A_38 = vector.multi_reduction <add>, %reduce_sum3A_36, %reduce_sum3A_37 [1, 2] : vector<1x21x128xf32> to vector<1xf32>
    %reduce_sum3A_39 = vector.shape_cast %reduce_sum3A_38 : vector<1xf32> to vector<1x1x1xf32>
    %reduce_sum3A_40 = vector.extract %reduce_sum3A_39[0, 0, 0] : f32 from vector<1x1x1xf32>
    %neg3A = arith.constant 0.000000e+00 : f32
    %neg3A_41 = arith.subf %neg3A, %reduce_sum3A_34 : f32
    %log3A = math.log %reduce_sum3A_23 : f32
    %add3A_42 = arith.addf %neg3A_41, %log3A : f32
    %get3A_43 = arith.constant 0 : index
    %get3A_44 = memref.load %arg2[%get3A_43] : memref<1xf32, #tpu.memory_space<smem>>
    %mul3A_45 = arith.mulf %add3A_42, %get3A_44 : f32
    %mul3A_46 = arith.constant 0.00999999977 : f32
    %mul3A_47 = arith.mulf %mul3A_46, %reduce_sum3A_40 : f32
    %add3A_48 = arith.addf %mul3A_45, %mul3A_47 : f32
    %get3A_49 = arith.constant 0 : index
    %get3A_50 = memref.load %arg3[%get3A_49] : memref<1xf32, #tpu.memory_space<smem>>
    %mul3A_51 = arith.constant 0.00999999977 : f32
    %mul3A_52 = arith.mulf %mul3A_51, %get3A_50 : f32
    %add3A_53 = arith.addf %add3A_48, %mul3A_52 : f32
    %swap3A = arith.constant 0 : index
    %swap3A_54 = memref.load %arg6[%swap3A] : memref<1xf32, #tpu.memory_space<smem>>
    memref.store %add3A_53, %arg6[%swap3A] : memref<1xf32, #tpu.memory_space<smem>>
    return
  }
}

</mosaic_0001>

<sc_bundles>
// kernel: kernel.5.cloned.1.call-start
scs
__scs_entry_jumppad:
0x0: {  	(pc) =	sbr.rel $0x88, $3  }
0x1: {  	(tag) =	ssettag $0x0;
	lr =	simm.s32 $0x1  }
0x2: {  	[smem:$0x3F9B] =	sst lr;
	_ =	strace $0xD0000000  }
0x3: {  	_ = 	snop  }
0x4: {  	_ = 	snop  }
0x5: {  	_ = 	snop  }
0x6: {  	_ = 	snop  }
0x7: {  	_ = 	snop  }
__scs_overlays_trampoline_lowered:
0x8: {  	[smem:$0x3FAA] =	sst s0  }
0x9: {  	[smem:$0x3FAB] =	sst s1  }
0xa: {  	[smem:$0x3FAC] =	sst s2  }
0xb: {  	[smem:$0x3FAD] =	sst s3  }
0xc: {  	[smem:$0x3FAE] =	sst s4  }
0xd: {  	[smem:$0x3FAF] =	sst s5  }
0xe: {  	[smem:$0x3FB0] =	sst s6  }
0xf: {  	[smem:$0x3FB1] =	sst s7  }
0x10: {  	[smem:$0x3FB2] =	sst s8  }
0x11: {  	[smem:$0x3FB3] =	sst s9;
	s0 =	simm.s32 @!p0 $0x0  }
0x12: {  	s1 =	sld [smem:$0x3F99];
	s0 =	simm.s32 @p0 $0x1  }
0x13: {  	[smem:$0x3FB4] =	sst s0;
	s0 =	simm.s32 @!p1 $0x0  }
0x14: {  	s2 =	sld [smem:$0x3F98];
	s0 =	simm.s32 @p1 $0x1  }
0x15: {  	[smem:$0x3FB5] =	sst s0;
	s0 =	simm.s32 @!p2 $0x0  }
0x16: {  	s3 =	sld [smem:$0x3FDB];
	s0 =	simm.s32 @p2 $0x1  }
0x17: {  	s4 =	simm.s32 $0x1BF5;
	[smem:$0x3FB7] =	sst s0  }
0x18: {  	s0 =	sld [smem:$0x3F9A];
	_ =	swait.ge [sflag:s4], $0x0  }
0x19: {  	s7 =	sld [smem:$0x3F9B]  }
0x1a: {  	s8 =	sadd.s32 $0xFFFFE003, lr  }
0x1b: {  	s9 =	sadd.s32 $0xFFFFFEF7, lr;
	s5 =	simm.s32 $0xFFFFFFFF;
	p2 =	slt.u32 s8, $0xFFFFF086  }
0x1c: {  	p1 =	slt.u32 s9, $0xF7A;
	s5 =	simm.s32 @!p2 $0x0  }
0x1d: {  	s5 =	simm.s32 @p1 $0x1;
	p0 =	seq.s32 s7, s2  }
0x1e: {  	s7 =	smul.u32 @!p0 $0xF7A, s2;
	p2 =	seq.s32 @!p0 s5, $0x0  }
0x1f: {  	s9 =	smul.u32 $0xF7A, s1;
	s8 =	simm.s32 @!p0 $0x1BF5;
	p2 =	por !p2, p0  }
0x20: {  	[sflag:s8] =	ssyncset.s32 @!p0 $0xFFFFF086;
	s6 =	sadd.s32 @!p0 s3, s7;
	s7 =	simm.s32 @!p0 $0x108  }
0x21: {  	s3 =	sadd.s32 s3, s9;
	s6 =	sadd.s32 @!p0 $0x88, s6;
	s7 =	simm.s32 @p2 $0x1082  }
0x22: {  	[simem:s7], [sflag:s8] =	dma.local @!p0 [hbm:s6], $0xF7A  }
0x23: {  	s9 =	sor.u32 $0xD0000000, s2;
	s6 =	simm.s32 $0x108;
	_ =	swait.ge @!p0 [sflag:s8], $0x0  }
0x24: {  	s3 =	sadd.s32 $0x88, s3;
	s6 =	simm.s32 @!p1 $0x1082;
	[sflag:s4] =	ssyncset.s32 $0xFFFFF086  }
0x25: {  	[simem:s6], [sflag:s4] =	dma.local [hbm:s3], $0xF7A  }
0x26: {  	[smem:$0x3F9B] =	sst s1;
	(tag) =	ssettag s2;
	_ =	strace s9  }
0x27: {  	s1 =	sld [smem:$0x3FAB]  }
0x28: {  	s2 =	sld [smem:$0x3FAC]  }
0x29: {  	s4 =	sld [smem:$0x3FAE]  }
0x2a: {  	p0 =	seq.s32 s5, $0x0;
	s5 =	sld [smem:$0x3FAF]  }
0x2b: {  	s6 =	sld [smem:$0x3FB0]  }
0x2c: {  	s7 =	sld [smem:$0x3FB1]  }
0x2d: {  	s3 =	simm.s32 $0x108;
	s8 =	sld [smem:$0x3FB2]  }
0x2e: {  	s3 =	simm.s32 @!p0 $0x1082;
	s9 =	sld [smem:$0x3FB3]  }
0x2f: {  	lr =	sadd.s32 s0, s3;
	s0 =	sld [smem:$0x3FAA]  }
0x30: {  	s3 =	sld [smem:$0x3FAD]  }
0x31: {  	[smem:$0x3FB6] =	sst s10  }
0x32: {  	s10 =	sld [smem:$0x3FB4];
	_ =	sdelay $0x3  }
0x33: {  	p0 =	seq.s32 s10, $0x1;
	s10 =	sld [smem:$0x3FB6];
	_ =	sdelay $0x3  }
0x34: {  	[smem:$0x3FB6] =	sst s10  }
0x35: {  	s10 =	sld [smem:$0x3FB5];
	_ =	sdelay $0x3  }
0x36: {  	p1 =	seq.s32 s10, $0x1;
	s10 =	sld [smem:$0x3FB6];
	_ =	sdelay $0x3  }
0x37: {  	[smem:$0x3FB6] =	sst s10  }
0x38: {  	s10 =	sld [smem:$0x3FB7]  }
0x39: {  	_ = 	snop;
	(pc) =	sbr.ind lr, $3  }
0x3a: {  	_ = 	snop  }
0x3b: {  	_ = 	snop  }
0x3c: {  	p2 =	seq.s32 s10, $0x1;
	s10 =	sld [smem:$0x3FB6]  }
0x3d: {  	_ =	shalt  }
0x3e: {  	_ =	shalt  }
0x3f: {  	_ =	shalt  }
0x40: {  	_ =	shalt  }
0x41: {  	_ =	shalt  }
0x42: {  	_ =	shalt  }
0x43: {  	_ =	shalt  }
0x44: {  	_ =	shalt  }
0x45: {  	_ =	shalt  }
0x46: {  	_ =	shalt  }
0x47: {  	_ =	shalt  }
0x48: {  	_ =	shalt  }
0x49: {  	_ =	shalt  }
0x4a: {  	_ =	shalt  }
0x4b: {  	_ =	shalt  }
0x4c: {  	_ =	shalt  }
0x4d: {  	_ =	shalt  }
0x4e: {  	_ =	shalt  }
0x4f: {  	_ =	shalt  }
0x50: {  	_ =	shalt  }
0x51: {  	_ =	shalt  }
0x52: {  	_ =	shalt  }
0x53: {  	_ =	shalt  }
0x54: {  	_ =	shalt  }
0x55: {  	_ =	shalt  }
0x56: {  	_ =	shalt  }
0x57: {  	_ =	shalt  }
0x58: {  	_ =	shalt  }
0x59: {  	_ =	shalt  }
0x5a: {  	_ =	shalt  }
0x5b: {  	_ =	shalt  }
0x5c: {  	_ =	shalt  }
0x5d: {  	_ =	shalt  }
0x5e: {  	_ =	shalt  }
0x5f: {  	_ =	shalt  }
0x60: {  	_ =	shalt  }
0x61: {  	_ =	shalt  }
0x62: {  	_ =	shalt  }
0x63: {  	_ =	shalt  }
0x64: {  	_ =	shalt  }
0x65: {  	_ =	shalt  }
0x66: {  	_ =	shalt  }
0x67: {  	_ =	shalt  }
0x68: {  	_ =	shalt  }
0x69: {  	_ =	shalt  }
0x6a: {  	_ =	shalt  }
0x6b: {  	_ =	shalt  }
0x6c: {  	_ =	shalt  }
0x6d: {  	_ =	shalt  }
0x6e: {  	_ =	shalt  }
0x6f: {  	_ =	shalt  }
0x70: {  	_ =	shalt  }
0x71: {  	_ =	shalt  }
0x72: {  	_ =	shalt  }
0x73: {  	_ =	shalt  }
0x74: {  	_ =	shalt  }
0x75: {  	_ =	shalt  }
0x76: {  	_ =	shalt  }
0x77: {  	_ =	shalt  }
0x78: {  	_ =	shalt  }
0x79: {  	_ =	shalt  }
0x7a: {  	_ =	shalt  }
0x7b: {  	_ =	shalt  }
0x7c: {  	_ =	shalt  }
0x7d: {  	_ =	shalt  }
0x7e: {  	_ =	shalt  }
0x7f: {  	_ =	shalt  }
0x80: {  	_ =	shalt  }
0x81: {  	_ =	shalt  }
0x82: {  	_ =	shalt  }
0x83: {  	_ =	shalt  }
0x84: {  	_ =	shalt  }
0x85: {  	_ =	shalt  }
0x86: {  	_ =	shalt  }
0x87: {  	_ =	shalt  }
.Lfunc_end0:
.L_simem_size_0:
called_computation_lowered:
.L_overlay_start_0:
0x88: {  	s0 =	sld [smem:$0x3FD9]  }
0x89: {  	s1 =	sld [smem:$0x3FFE];
	_ =	sdelay $0x3  }
0x8a: {  	s0 =	sadd.s32 s1, s0  }
0x8b: {  	[smem:$0x3FC2] =	sst s0  }
0x8c: {  	_ = 	snop  }
0x8d: {  	s0 =	sld [smem:$0x3FC8];
	(tm) =	ssettm $0x1  }
0x8e: {  	s16 =	sld [smem:$0x3FFB];
	_ =	sdelay $0x3  }
0x8f: {  	_ =	strace s16  }
0x90: {  	s1 =	sld [smem:$0x3FFC];
	_ =	sdelay $0x3  }
0x91: {  	_ =	strace s1  }
0x92: {  	s1 =	sld [smem:$0x3FFD];
	_ =	sdelay $0x3  }
0x93: {  	_ =	strace s1  }
0x94: {  	_ =	strace $0x8FFFFFFF  }
0x95: {  	s17 =	sld [smem:$0x3FDB];
	_ =	sdelay $0x1  }
0x96: {  	s2 =	simm.s32 $_scs_section_size  }
0x97: {  	s3 =	simm.s32 $_size__tile_overlayer_lowered;
	s4 =	simm.s32 $_tile_overlayer_lowered  }
0x98: {  	s20 =	simm.s32 $0x1BFF;
	s19 =	sshll.u32 s4, $0x1;
	s1 =	sadd.s32 s2, s17  }
0x99: {  	s5 =	simm.s32 $0x0;
	s18 =	sshll.u32 s3, $0x1;
	s3 =	sadd.s32 s19, s1  }
0x9a: {  	[timem:s5], [sflag:s20] =	dma.local [hbm:s3], s18  }
0x9b: {  	_ =	swait.ge [sflag:s20], s18  }
0x9c: {  	s2 =	ssub.s32 $0x0, s18;
	[sflag:s20] =	ssyncset.done $0x0  }
0x9d: {  	[sflag:s20] =	ssyncadd.s32 s2;
	_ =	sdelay $0x1  }
0x9e: {  	s21 =	simm.s32 $0x1B8B  }
0x9f: {  	_ =	swait.ge [sflag:s21], $0x1  }
0xa0: {  	[sflag:s21] =	ssyncset.done $0x0  }
0xa1: {  	s23 =	simm.s32 $0x1B8E;
	s22 =	sld [smem:$0x3FFE];
	[sflag:s21] =	ssyncadd.s32 $0xFFFFFFFF  }
0xa2: {  	s24 =	simm.s32 $execute0_lowered;
	[smem:$0x3FD2] =	sst s23  }
0xa3: {  	s3 =	sshll.u32 s24, $0x1;
	_ =	strace $0x80000046;
	[dreg:$0x1] =	wrdreg $0xFFFFFFFF  }
0xa4: {  	s25 =	simm.s32 $_size_execute0_lowered;
	s1 =	sadd.s32 s1, s3;
	[dreg:$0x0] =	wrdreg $0x0  }
0xa5: {  	s3 =	sshll.u32 s25, $0x1;
	[dreg:$0x2] =	wrdreg s1  }
0xa6: {  	[dreg:$0x3] =	wrdreg s3  }
0xa7: {  	[dreg:$0x4] =	wrdreg $0xC0  }
0xa8: {  	_ =	task [dreg:s5], $0x5FFFF  }
0xa9: {  	[dreg:$0x1] =	wrdreg $0xFFFFFFFF  }
0xaa: {  	[dreg:$0x0] =	wrdreg $0x60  }
0xab: {  	[dreg:$0x2] =	wrdreg s22  }
0xac: {  	[dreg:$0x3] =	wrdreg s0  }
0xad: {  	[dreg:$0x4] =	wrdreg $0x9  }
0xae: {  	_ =	task.clear_ibuf [dreg:s5], $0x5FFFF;
	_ =	strace $0x90000046  }
0xaf: {  	s26 =	simm.s32 $0x9;
	_ =	strace $0x80000048  }
0xb0: {  	_ =	swait.ge [sflag:s26], $0x1  }
0xb1: {  	[sflag:s26] =	ssyncadd.s32 $0xFFFFFFFF  }
0xb2: {  	_ =	strace $0x90000048  }
0xb3: {  	_ =	sfence  }
0xb4: {  	s28 =	sld [smem:$0x0];
	_ =	sdelay $0x1  }
0xb5: {  	s29 =	srdreg.scid  }
0xb6: {  	s30 =	sshll.u32 s29, $0xD;
	s31 =	sshrl.u32 s29, $0x2  }
0xb7: {  	s2 =	sand.u32 $0x4000, s30;
	s1 =	sand.u32 $0x1, s29;
	s0 =	sadd.s32 s31, s28  }
0xb8: {  	s1 =	sor.u32 s2, s1;
	s0 =	sshll.u32 s0, $0x11  }
0xb9: {  	s0 =	sor.u32 s0, s1  }
0xba: {  	s0 =	sadd.s32 $0x8F2B, s0  }
0xbb: {  	[sflag:s0] =	ssyncadd.remote.s32 $0x1  }
0xbc: {  	_ =	sfence.sel $0xFFFF  }
0xbd: {  	[dreg:$0x0] =	wrdreg $0xFFFFFFFF;
	(pc) =	sbr.abs _section_cstart, $3  }
0xbe: {  	[dreg:$0x1] =	wrdreg $0xFFFFFFFF  }
0xbf: {  	_ =	task.clear_ibuf [dreg:s5], $0x2FFFF;
	_ =	strace $0x9FFFFFFF  }
0xc0: {  	(tm) =	ssettm $0x7FFFFFFF  }
0xc1: {  	_ =	shalt  }
tec
execute0_lowered:
.L_overlay_start_1:
0x0: {  	(tag) =	ssettag $0x1  }
0x1: {  	s4 =	rddreg [dreg:$0x0]  }
0x2: {  	s2 =	rddreg [dreg:$0x1]  }
0x3: {  	s0 =	rddreg [dreg:$0x2];
	s5 =	simm.s32 $0x0;
	s1 =	stileid.u32  }
0x4: {  	[smem:$0x7FF] =	sst s5;
	s6 =	sshll.u32 s1, $0x4  }
0x5: {  	s7 =	simm.s32 $0x2;
	_ =	strace $0x80000047;
	s3 =	sadd.s32 s2, s6  }
0x6: {  	[tilespmem:s5], [sflag:$0x2] =	stream.linear.gather [hbm4b:s3+s5], $0x80, $0x38;
	[tilespmem:$0x180] =	vst v63  }
0x7: {  	_ =	swait.ge [sflag:s7], $0x80  }
0x8: {  	[sflag:s7] =	ssyncset.done $0x0  }
0x9: {  	[sflag:s7] =	ssyncadd.s32 $0xFFFFFF80  }
0xa: {  	v0 =	vld [tilespmem:$0x0]  }
0xb: {  	v1 =	vld [tilespmem:$0x10]  }
0xc: {  	v2 =	vld [tilespmem:$0x20]  }
0xd: {  	v3 =	vld [tilespmem:$0x30]  }
0xe: {  	v4 =	vld [tilespmem:$0x40]  }
0xf: {  	v5 =	vlaneseq.u32;
	v6 =	vld [tilespmem:$0x50];
	v0 =	vshll.u32 v0, $0x7  }
0x10: {  	v7 =	vor.u32 $0x10, v5;
	v8 =	vld [tilespmem:$0x60];
	v1 =	vshll.u32 v1, $0x7;
	v0 =	vor.u32 v5, v0  }
0x11: {  	v46 =	vor.u32 $0x20, v5;
	v47 =	vld [tilespmem:$0x70];
	v45 =	vshll.u32 v2, $0x7;
	v44 =	vor.u32 v7, v1;
	[tilespmem:$0x80] =	vst v0  }
0x12: {  	v50 =	vor.u32 $0x30, v5;
	v49 =	vshll.u32 v3, $0x7;
	v48 =	vor.u32 v46, v45;
	[tilespmem:$0x90] =	vst v44  }
0x13: {  	v53 =	vor.u32 $0x40, v5;
	v52 =	vshll.u32 v4, $0x7;
	v51 =	vor.u32 v50, v49;
	[tilespmem:$0xA0] =	vst v48  }
0x14: {  	v56 =	vor.u32 $0x50, v5;
	v55 =	vshll.u32 v6, $0x7;
	v54 =	vor.u32 v53, v52;
	[tilespmem:$0xB0] =	vst v51  }
0x15: {  	v59 =	vor.u32 $0x60, v5;
	v58 =	vshll.u32 v8, $0x7;
	v57 =	vor.u32 v56, v55;
	[tilespmem:$0xC0] =	vst v54  }
0x16: {  	v62 =	vor.u32 $0x70, v5;
	v61 =	vshll.u32 v47, $0x7;
	v60 =	vor.u32 v59, v58;
	[tilespmem:$0xD0] =	vst v57  }
0x17: {  	s8 =	simm.s32 $0x80;
	v63 =	vor.u32 v62, v61;
	[tilespmem:$0xE0] =	vst v60  }
0x18: {  	s9 =	simm.s32 $0x100;
	s31 =	simm.s32 $0x1;
	s3 =	sadd.s32 $0x800, s4;
	[tilespmem:$0xF0] =	vst v63  }
0x19: {  	[tilespmem:s9], [sflag:$0x1] =	stream.indirect.gather [hbm4b:s3+s8], $0x1, s8, s8, $0xb8;
	[tilespmem:$0x180] =	vst v63  }
0x1a: {  	_ =	swait.ge [sflag:s31], $0x80  }
0x1b: {  	s4 =	sadd.s32 $0x2400, s4;
	[sflag:s31] =	ssyncset.done $0x0  }
0x1c: {  	s10 =	sadd.s32 s4, s6;
	[sflag:s31] =	ssyncadd.s32 $0xFFFFFF80  }
0x1d: {  	[hbm4b:s10+s5] =	stream.linear.scatter [tilespmem:s9], [sflag:$0x2], $0x80, $0x38;
	[tilespmem:$0x180] =	vst v63  }
0x1e: {  	p0 =	sgt.u32 s1, $0x4;
	_ =	swait.ge [sflag:s7], $0x80  }
0x1f: {  	s5 =	sor.u32 @!p0 $0x100, s6;
	[sflag:s7] =	ssyncset.done $0x0  }
0x20: {  	s6 =	simm.s32 @!p0 $0x0;
	s2 =	sadd.s32 @!p0 s2, s5;
	[sflag:s7] =	ssyncadd.s32 $0xFFFFFF80  }
0x21: {  	[tilespmem:s6], [sflag:$0x2] =	stream.linear.gather @!p0 [hbm4b:s2+s6], $0x80, $0x38;
	[tilespmem:$0x180] =	vst v63  }
0x22: {  	s2 =	simm.s32 @!p0 $0x2  }
0x23: {  	_ =	swait.ge @!p0 [sflag:s2], $0x80  }
0x24: {  	[sflag:s2] =	ssyncset.done @!p0 $0x0  }
0x25: {  	[sflag:s2] =	ssyncadd.s32 @!p0 $0xFFFFFF80  }
0x26: {  	v0 =	vld @!p0 [tilespmem:$0x0]  }
0x27: {  	v1 =	vld @!p0 [tilespmem:$0x10]  }
0x28: {  	v2 =	vld @!p0 [tilespmem:$0x20]  }
0x29: {  	v3 =	vld @!p0 [tilespmem:$0x30]  }
0x2a: {  	v4 =	vld @!p0 [tilespmem:$0x40]  }
0x2b: {  	v5 =	vlaneseq.u32 @!p0;
	v6 =	vld @!p0 [tilespmem:$0x50];
	v0 =	vshll.u32 @!p0 v0, $0x7  }
0x2c: {  	v7 =	vor.u32 @!p0 $0x10, v5;
	v8 =	vld @!p0 [tilespmem:$0x60];
	v1 =	vshll.u32 @!p0 v1, $0x7;
	v0 =	vor.u32 @!p0 v5, v0  }
0x2d: {  	[tilespmem:$0x80] =	vst @!p0 v0;
	v0 =	vor.u32 @!p0 v7, v1;
	v1 =	vshll.u32 @!p0 v2, $0x7;
	v2 =	vor.u32 @!p0 $0x20, v5;
	v7 =	vld @!p0 [tilespmem:$0x70]  }
0x2e: {  	[tilespmem:$0x90] =	vst @!p0 v0;
	v0 =	vor.u32 @!p0 v2, v1;
	v1 =	vshll.u32 @!p0 v3, $0x7;
	v2 =	vor.u32 @!p0 $0x30, v5  }
0x2f: {  	[tilespmem:$0xA0] =	vst @!p0 v0;
	v0 =	vor.u32 @!p0 v2, v1;
	v1 =	vshll.u32 @!p0 v4, $0x7;
	v2 =	vor.u32 @!p0 $0x40, v5  }
0x30: {  	[tilespmem:$0xB0] =	vst @!p0 v0;
	v0 =	vor.u32 @!p0 v2, v1;
	v1 =	vshll.u32 @!p0 v6, $0x7;
	v2 =	vor.u32 @!p0 $0x50, v5  }
0x31: {  	[tilespmem:$0xC0] =	vst @!p0 v0;
	v0 =	vor.u32 @!p0 v2, v1;
	v1 =	vshll.u32 @!p0 v8, $0x7;
	v2 =	vor.u32 @!p0 $0x60, v5  }
0x32: {  	[tilespmem:$0xD0] =	vst @!p0 v0;
	v0 =	vor.u32 @!p0 v2, v1;
	v1 =	vshll.u32 @!p0 v7, $0x7;
	v2 =	vor.u32 @!p0 $0x70, v5  }
0x33: {  	[tilespmem:$0xE0] =	vst @!p0 v0;
	v0 =	vor.u32 @!p0 v2, v1  }
0x34: {  	s8 =	simm.s32 @!p0 $0x100;
	s7 =	simm.s32 @!p0 $0x80;
	[tilespmem:$0xF0] =	vst @!p0 v0  }
0x35: {  	[tilespmem:s8], [sflag:$0x1] =	stream.indirect.gather @!p0 [hbm4b:s3+s7], $0x1, s7, s7, $0xb8;
	[tilespmem:$0x180] =	vst v63  }
0x36: {  	s3 =	simm.s32 @!p0 $0x1  }
0x37: {  	_ =	swait.ge @!p0 [sflag:s3], $0x80  }
0x38: {  	[sflag:s3] =	ssyncset.done @!p0 $0x0  }
0x39: {  	s4 =	sadd.s32 @!p0 s4, s5;
	[sflag:s3] =	ssyncadd.s32 @!p0 $0xFFFFFF80  }
0x3a: {  	[hbm4b:s4+s6] =	stream.linear.scatter @!p0 [tilespmem:s8], [sflag:$0x2], $0x80, $0x38;
	[tilespmem:$0x180] =	vst v63  }
0x3b: {  	_ =	swait.ge @!p0 [sflag:s2], $0x80  }
0x3c: {  	[sflag:s2] =	ssyncset.done @!p0 $0x0  }
0x3d: {  	[sflag:s2] =	ssyncadd.s32 @!p0 $0xFFFFFF80  }
0x3e: {  	_ =	sfence.sel $0x180000  }
0x3f: {  	[bflag:$0x0] =	sbarrier.arrive $0xFFFF  }
0x40: {  	p0 =	sne.s32 s1, $0x0;
	_ =	strace $0x90000047  }
0x41: {  	s0 =	sadd.s32 @!p0 $0x100000, s0;
	[bflag:$0x2] =	sbarrier.arrive $0xFFFF  }
0x42: {  	[sflag:s0] =	ssyncadd.tile.s32 @!p0 $0x1;
	_ =	shalt  }
.Lfunc_end2:
_tile_overlayer_lowered:
.L_overlay_start_2:
0x43: {  	(tag) =	ssettag $0x2  }
0x44: {  	s0 =	rddreg [dreg:$0x0];
	s2 =	stileid.u32  }
0x45: {  	s1 =	rddreg [dreg:$0x1];
	p0 =	sne.s32 s2, $0x0  }
0x46: {  	s3 =	rddreg [dreg:$0x2];
	[bflag:$0x3] =	sbarrier.arrive $0xFFFF;
	s2 =	simm.s32 @!p0 $0x1C02  }
0x47: {  	[timem:s3], [sflag:s2] =	dma.local @!p0 [hbm:s0], s1  }
0x48: {  	s0 =	simm.s32 @!p0 $0x2  }
0x49: {  	_ =	swait.ge @!p0 [sflag:s0], s1  }
0x4a: {  	s1 =	ssub.s32 @!p0 $0x0, s1;
	[sflag:s0] =	ssyncset.done @!p0 $0x0  }
0x4b: {  	[sflag:s0] =	ssyncadd.s32 @!p0 s1  }
0x4c: {  	[bflag:$0x3] =	sbarrier.arrive $0xFFFF  }
0x4d: {  	_ =	shalt  }

</sc_bundles>
